<compile_context>
chip_gen: v7x
topology: tpu7x:2x2x1
jax: 0.10.2.dev20260603
libtpu: 0.0.44.dev20260713+nightly
codegen_flags: <defaults>
</compile_context>

<pallas_src>
import functools

import jax
import jax.numpy as jnp
from jax import lax
from jax.experimental import pallas as pl
from jax.experimental.pallas import tpu as pltpu
from jax.experimental.pallas import tpu_sc as plsc

N_E = 8192
E_DIM = 256
HALF = 128
BETA = 0.25
ENTROPY_RATIO = 0.1
INV_TEMP = 100.0
TOKENS = 8 * 24 * 24
TB = 192
GRID = TOKENS // TB

NW = 32
B_PER_W = TOKENS // NW


def _vq_kernel(zf_ref, w1_ref, w2_ref,
               idx_ref, emb_ref, vq_ref, ent_ref, d1n_ref, d2n_ref,
               e1b_ref, e2b_ref, e1n_ref, e2n_ref, aprob_ref, dsq_ref):
    i = pl.program_id(0)

    @pl.when(i == 0)
    def _init():
        w1 = w1_ref[...]
        n1 = jnp.sqrt(jnp.sum(w1 * w1, axis=1, keepdims=True))
        e1 = w1 / jnp.maximum(n1, 1e-12)
        w2 = w2_ref[...]
        n2 = jnp.sqrt(jnp.sum(w2 * w2, axis=1, keepdims=True))
        e2 = w2 / jnp.maximum(n2, 1e-12)
        emb_ref[:, :HALF] = e1
        emb_ref[:, HALF:] = e2
        e1b_ref[...] = e1.astype(jnp.bfloat16)
        e2b_ref[...] = e2.astype(jnp.bfloat16)
        ones = jnp.ones((1, HALF), jnp.float32)
        e1n_ref[...] = jax.lax.dot_general(
            ones, e1 * e1, (((1,), (1,)), ((), ())),
            preferred_element_type=jnp.float32,
            precision=jax.lax.Precision.HIGHEST)
        e2n_ref[...] = jax.lax.dot_general(
            ones, e2 * e2, (((1,), (1,)), ((), ())),
            preferred_element_type=jnp.float32,
            precision=jax.lax.Precision.HIGHEST)
        aprob_ref[...] = jnp.zeros_like(aprob_ref)
        dsq_ref[...] = jnp.zeros_like(dsq_ref)
        zero = jnp.zeros((1, 1), jnp.float32)
        vq_ref[...] = zero
        ent_ref[...] = zero

    zf = zf_ref[...]
    z1 = zf[:, :HALF]
    z2 = zf[:, HALF:]
    zn1 = z1 / jnp.maximum(jnp.sqrt(jnp.sum(z1 * z1, axis=1, keepdims=True)), 1e-12)
    zn2 = z2 / jnp.maximum(jnp.sqrt(jnp.sum(z2 * z2, axis=1, keepdims=True)), 1e-12)
    sz1 = jnp.sum(zn1 * zn1, axis=1, keepdims=True)
    sz2 = jnp.sum(zn2 * zn2, axis=1, keepdims=True)

    s1 = jax.lax.dot_general(zn1.astype(jnp.bfloat16), e1b_ref[...],
                             (((1,), (1,)), ((), ())),
                             preferred_element_type=jnp.float32)
    s2 = jax.lax.dot_general(zn2.astype(jnp.bfloat16), e2b_ref[...],
                             (((1,), (1,)), ((), ())),
                             preferred_element_type=jnp.float32)
    d1 = (sz1 + e1n_ref[...]) - 2.0 * s1
    d2 = (sz2 + e2n_ref[...]) - 2.0 * s2
    d = d1 + d2

    ones_row = jnp.ones((1, TB), jnp.float32)
    ones_col = jnp.ones((N_E, 8), jnp.float32)
    dsq_ref[...] += jnp.concatenate([
        jax.lax.dot_general(ones_row, d1 * d1, (((1,), (0,)), ((), ())),
                            preferred_element_type=jnp.float32),
        jax.lax.dot_general(ones_row, d2 * d2, (((1,), (0,)), ((), ())),
                            preferred_element_type=jnp.float32),
    ], axis=0)

    idx = jnp.argmin(d, axis=1)
    dmin = jnp.min(d, axis=1, keepdims=True)
    idx_ref[...] = idx.reshape(TB, 1)
    vq_ref[...] += jnp.sum(dmin).reshape(1, 1)

    shifted = (dmin - d) * INV_TEMP
    ex = jnp.exp(shifted)
    zsum = jax.lax.dot_general(ex, ones_col, (((1,), (0,)), ((), ())),
                               preferred_element_type=jnp.float32)[:, 0:1]
    rz = 1.0 / zsum
    t = jax.lax.dot_general(ex * shifted, ones_col, (((1,), (0,)), ((), ())),
                            preferred_element_type=jnp.float32)[:, 0:1]
    ent_ref[...] += jnp.sum(t * rz - jnp.log(zsum)).reshape(1, 1)
    aprob_ref[...] += jax.lax.dot_general(
        rz.reshape(1, TB), ex, (((1,), (0,)), ((), ())),
        preferred_element_type=jnp.float32)

    @pl.when(i == GRID - 1)
    def _finalize():
        ntok = jnp.float32(TOKENS)
        vq_ref[...] = vq_ref[...] / (ntok * jnp.float32(E_DIM))
        sample_entropy = -(ent_ref[...] / ntok)
        avg = aprob_ref[...] / ntok
        avg_entropy = -jnp.sum(avg * jnp.log(avg + 1e-5)).reshape(1, 1)
        ent_ref[...] = ENTROPY_RATIO * (sample_entropy - avg_entropy)
        dsq = dsq_ref[...]
        d1n_ref[...] = (jnp.sum(dsq[0:1, :]) / ntok).reshape(1, 1)
        d2n_ref[...] = (jnp.sum(dsq[1:2, :]) / ntok).reshape(1, 1)


def _vq_call(zf, w1, w2):
    out_shapes = (
        jax.ShapeDtypeStruct((TOKENS, 1), jnp.int32),
        jax.ShapeDtypeStruct((N_E, E_DIM), jnp.float32),
        jax.ShapeDtypeStruct((1, 1), jnp.float32),
        jax.ShapeDtypeStruct((1, 1), jnp.float32),
        jax.ShapeDtypeStruct((1, 1), jnp.float32),
        jax.ShapeDtypeStruct((1, 1), jnp.float32),
    )
    scalar_spec = pl.BlockSpec((1, 1), lambda i: (0, 0))
    return pl.pallas_call(
        _vq_kernel,
        grid=(GRID,),
        in_specs=[
            pl.BlockSpec((TB, E_DIM), lambda i: (i, 0)),
            pl.BlockSpec((N_E, HALF), lambda i: (0, 0)),
            pl.BlockSpec((N_E, HALF), lambda i: (0, 0)),
        ],
        out_specs=(
            pl.BlockSpec((TB, 1), lambda i: (i, 0)),
            pl.BlockSpec((N_E, E_DIM), lambda i: (0, 0)),
            scalar_spec, scalar_spec, scalar_spec, scalar_spec,
        ),
        out_shape=out_shapes,
        scratch_shapes=[
            pltpu.VMEM((N_E, HALF), jnp.bfloat16),
            pltpu.VMEM((N_E, HALF), jnp.bfloat16),
            pltpu.VMEM((1, N_E), jnp.float32),
            pltpu.VMEM((1, N_E), jnp.float32),
            pltpu.VMEM((1, N_E), jnp.float32),
            pltpu.VMEM((2, N_E), jnp.float32),
        ],
    )(zf, w1, w2)


@functools.lru_cache(maxsize=1)
def _sc_gather_fn():
    mesh = plsc.VectorSubcoreMesh(core_axis_name="c", subcore_axis_name="s")

    @functools.partial(
        pl.kernel,
        mesh=mesh,
        out_type=jax.ShapeDtypeStruct((TOKENS, E_DIM), jnp.float32),
        scratch_types=[
            pltpu.VMEM((B_PER_W,), jnp.int32),
            pltpu.VMEM((B_PER_W, E_DIM), jnp.float32),
            pltpu.SemaphoreType.DMA,
        ],
    )
    def _sc_gather(table_hbm, idx_hbm, out_hbm, idx_v, rows_v, sem):
        wid = lax.axis_index("s") * 2 + lax.axis_index("c")
        base = wid * B_PER_W
        pltpu.sync_copy(idx_hbm.at[pl.ds(base, B_PER_W)], idx_v)
        pltpu.async_copy(table_hbm.at[idx_v], rows_v, sem).wait()
        pltpu.sync_copy(rows_v, out_hbm.at[pl.ds(base, B_PER_W)])

    return _sc_gather


def kernel(z, W_vqkd, W_vqgan):
    b, c, h, w = z.shape
    zf = jnp.transpose(z, (0, 2, 3, 1)).reshape(-1, E_DIM)
    idx2, emb, vq, ent, d1n, d2n = _vq_call(zf, W_vqkd, W_vqgan)
    indices = idx2.reshape(-1)
    z_q = _sc_gather_fn()(emb, indices)
    out = jnp.transpose(z_q.reshape(b, h, w, c), (0, 3, 1, 2))
    vq_loss = vq[0, 0]
    commit_loss = BETA * vq_loss
    entropy_loss = ent[0, 0]
    return (out, vq_loss, commit_loss, entropy_loss,
            d1n[0, 0], d2n[0, 0], indices)

# --- scband reference (transcript-rebuilt; emitter-appended) ---
"""Pipeline reference for scband-vector-quantizer-30562987278584 (READ-ONLY COPY).

The authoritative reference and input builder live on the scoring server;
editing this copy changes nothing except your own understanding.
"""

import jax, jax.numpy as jnp
import numpy as np

N_E = 8192
E_DIM = 256
SPLIT = (128, 128)
BETA = 0.25
ENTROPY_RATIO = 0.1


def l2norm(x):
    n = jnp.linalg.norm(x, axis=-1, keepdims=True)
    return x / jnp.maximum(n, 1e-12)


def compute_entropy_loss(affinity, temperature=0.01):
    flat = affinity.reshape(-1, affinity.shape[-1]) / temperature
    probs = jax.nn.softmax(flat, axis=-1)
    log_probs = jax.nn.log_softmax(flat + 1e-05, axis=-1)
    target_probs = probs
    avg_probs = jnp.mean(target_probs, axis=0)
    avg_entropy = -jnp.sum(avg_probs * jnp.log(avg_probs + 1e-05))
    sample_entropy = -jnp.mean(jnp.sum(target_probs * log_probs, axis=-1))
    return sample_entropy - avg_entropy


def setup_inputs(seed: int = 0) -> dict:
    key = jax.random.key(seed)
    k1, k2, k3 = jax.random.split(key, 3)
    z = jax.random.normal(k1, (8, 256, 24, 24), dtype=jnp.float32)
    W_vqkd = jax.random.uniform(k2, (N_E, SPLIT[0]), minval=-1.0 / N_E, maxval=1.0 / N_E, dtype=jnp.float32)
    W_vqkd = l2norm(W_vqkd)
    W_vqgan = jax.random.uniform(k3, (N_E, SPLIT[1]), minval=-1.0 / N_E, maxval=1.0 / N_E, dtype=jnp.float32)
    W_vqgan = l2norm(W_vqgan)
    return {"z": z, "W_vqkd": W_vqkd, "W_vqgan": W_vqgan}


def reference(z, W_vqkd, W_vqgan):
    # b c h w -> b h w c
    z = jnp.transpose(z, (0, 2, 3, 1))
    z_flattened = z.reshape(-1, E_DIM)
    z_vqkd = z[..., : SPLIT[0]]
    z_vqgan = z[..., SPLIT[0]:]
    zf_vqkd = l2norm(z_flattened[:, : SPLIT[0]])
    zf_vqgan = l2norm(z_flattened[:, SPLIT[0]:])
    # l2_norm branch
    z_vqkd = l2norm(z_vqkd)
    embedding_vqkd = l2norm(W_vqkd)
    z_vqgan = l2norm(z_vqgan)
    embedding_vqgan = l2norm(W_vqgan)
    zc = jnp.concatenate([z_vqkd, z_vqgan], axis=-1)

    d_vqkd = (jnp.sum(zf_vqkd ** 2, axis=1, keepdims=True)
              + jnp.sum(embedding_vqkd ** 2, axis=1)
              - 2.0 * zf_vqkd @ embedding_vqkd.T)
    d_vqgan = (jnp.sum(zf_vqgan ** 2, axis=1, keepdims=True)
               + jnp.sum(embedding_vqgan ** 2, axis=1)
               - 2.0 * zf_vqgan @ embedding_vqgan.T)
    vqkd_d_norm = jnp.mean(jnp.sum(d_vqkd ** 2, axis=-1))
    vqgan_d_norm = jnp.mean(jnp.sum(d_vqgan ** 2, axis=-1))
    d = d_vqkd + 1.0 * d_vqgan
    min_encoding_indices = jnp.argmin(d, axis=1)

    all_embedding = jnp.concatenate([embedding_vqkd, embedding_vqgan], axis=-1)
    z_q = jnp.take(all_embedding, min_encoding_indices, axis=0).reshape(zc.shape)

    # training losses (non-kmeans branch)
    vq_loss = jnp.mean((z_q - jax.lax.stop_gradient(zc)) ** 2)
    commit_loss = BETA * jnp.mean((jax.lax.stop_gradient(z_q) - zc) ** 2)
    entropy_loss = ENTROPY_RATIO * compute_entropy_loss(-d)

    # straight-through
    z_q_st = zc + jax.lax.stop_gradient(z_q - zc)
    out = jnp.transpose(z_q_st, (0, 3, 1, 2))
    return (out, vq_loss, commit_loss, entropy_loss, vqkd_d_norm, vqgan_d_norm, min_encoding_indices)

if __name__ == "__main__":
    import jax
    _d = setup_inputs()
    print(jax.jit(kernel)(*tuple(_d.values())))

</pallas_src>

<mosaic_0001>
#map = affine_map<(d0, d1) -> (0, 0)>
#map1 = affine_map<(d0, d1) -> (0)>
module attributes {stable_mosaic.version = 14 : i64} {
  func.func @_sc_gather(%arg0: i32, %arg1: i32, %arg2: memref<8192x256xf32, #tpu.memory_space<hbm>>, %arg3: memref<4608xi32, #tpu.memory_space<hbm>>, %arg4: memref<4608x256xf32, #tpu.memory_space<hbm>>, %arg5: memref<144xi32, #tpu.memory_space<vmem>>, %arg6: memref<144x256xf32, #tpu.memory_space<vmem>>, %arg7: memref<!tpu.dma_semaphore, #tpu.memory_space<semaphore_mem>>) attributes {dimension_semantics = [#tpu.dimension_semantics<core_parallel>, #tpu.dimension_semantics<subcore_parallel>], iteration_bounds = array<i64: 2, 16>, scalar_prefetch = 0 : i64, scratch_operands = 3 : i64, tpu.core_type = #tpu.core_type<sc_vector_subcore>, window_params = [{transform_indices = #map}, {transform_indices = #map1}, {transform_indices = #map}]} {
    %mul3A = arith.constant 2 : i32
    %mul3A_0 = arith.muli %arg1, %mul3A : i32
    %add3A = arith.addi %mul3A_0, %arg0 : i32
    %mul3A_1 = arith.constant 144 : i32
    %mul3A_2 = arith.muli %add3A, %mul3A_1 : i32
    "tpu.region"() ({
      %run_scoped3A = tpu.sem_alloc : memref<!tpu.dma_semaphore, #tpu.memory_space<semaphore_mem>>
      %dma_start3A_7 = tpu.memref_slice %arg3[%mul3A_2] : memref<4608xi32, #tpu.memory_space<hbm>> -> memref<144xi32, #tpu.memory_space<hbm>>
      %dma_start3A_8 = tpu.memref_slice %arg3[%mul3A_2] : memref<4608xi32, #tpu.memory_space<hbm>> -> memref<144xi32, #tpu.memory_space<hbm>>
      tpu.enqueue_dma source(%dma_start3A_8 : memref<144xi32, #tpu.memory_space<hbm>>) target(%arg5 : memref<144xi32, #tpu.memory_space<vmem>>) target_semaphore(%run_scoped3A : memref<!tpu.dma_semaphore, #tpu.memory_space<semaphore_mem>>)
      %dma_wait3A_9 = tpu.memref_slice %arg3[%mul3A_2] : memref<4608xi32, #tpu.memory_space<hbm>> -> memref<144xi32, #tpu.memory_space<hbm>>
      %dma_wait3A_10 = tpu.memref_slice %arg3[%mul3A_2] : memref<4608xi32, #tpu.memory_space<hbm>> -> memref<144xi32, #tpu.memory_space<hbm>>
      tpu.wait_dma2 semaphore(%run_scoped3A : memref<!tpu.dma_semaphore, #tpu.memory_space<semaphore_mem>>) src(%dma_wait3A_10 : memref<144xi32, #tpu.memory_space<hbm>>) dst(%arg5 : memref<144xi32, #tpu.memory_space<vmem>>)
      tpu.yield
    }) : () -> ()
    %dma_start3A = arith.constant 0 : i32
    %dma_start3A_3 = arith.constant 0 : i32
    %dma_start3A_4 = tpu.memref_slice %arg2[%dma_start3A, %dma_start3A_3] : memref<8192x256xf32, #tpu.memory_space<hbm>> -> memref<8192x256xf32, #tpu.memory_space<hbm>>
    tpu.enqueue_indirect_dma source(%dma_start3A_4 : memref<8192x256xf32, #tpu.memory_space<hbm>>) target(%arg6 : memref<144x256xf32, #tpu.memory_space<vmem>>) offsets(%arg5 : memref<144xi32, #tpu.memory_space<vmem>>) semaphore(%arg7 : memref<!tpu.dma_semaphore, #tpu.memory_space<semaphore_mem>>)
    %dma_wait3A = arith.constant 0 : i32
    %dma_wait3A_5 = arith.constant 0 : i32
    %dma_wait3A_6 = tpu.memref_slice %arg2[%dma_wait3A, %dma_wait3A_5] : memref<8192x256xf32, #tpu.memory_space<hbm>> -> memref<8192x256xf32, #tpu.memory_space<hbm>>
    tpu.wait_indirect_dma semaphore(%arg7 : memref<!tpu.dma_semaphore, #tpu.memory_space<semaphore_mem>>) src(%dma_wait3A_6 : memref<8192x256xf32, #tpu.memory_space<hbm>>) dst(%arg6 : memref<144x256xf32, #tpu.memory_space<vmem>>)
    "tpu.region"() ({
      %run_scoped3A = tpu.sem_alloc : memref<!tpu.dma_semaphore, #tpu.memory_space<semaphore_mem>>
      %dma_start3A_7 = arith.constant 0 : i32
      %dma_start3A_8 = tpu.memref_slice %arg4[%mul3A_2, %dma_start3A_7] : memref<4608x256xf32, #tpu.memory_space<hbm>> -> memref<144x256xf32, #tpu.memory_space<hbm>>
      %dma_start3A_9 = arith.constant 0 : i32
      %dma_start3A_10 = tpu.memref_slice %arg4[%mul3A_2, %dma_start3A_9] : memref<4608x256xf32, #tpu.memory_space<hbm>> -> memref<144x256xf32, #tpu.memory_space<hbm>>
      tpu.enqueue_dma source(%arg6 : memref<144x256xf32, #tpu.memory_space<vmem>>) target(%dma_start3A_10 : memref<144x256xf32, #tpu.memory_space<hbm>>) target_semaphore(%run_scoped3A : memref<!tpu.dma_semaphore, #tpu.memory_space<semaphore_mem>>)
      %dma_wait3A_11 = arith.constant 0 : i32
      %dma_wait3A_12 = tpu.memref_slice %arg4[%mul3A_2, %dma_wait3A_11] : memref<4608x256xf32, #tpu.memory_space<hbm>> -> memref<144x256xf32, #tpu.memory_space<hbm>>
      %dma_wait3A_13 = arith.constant 0 : i32
      %dma_wait3A_14 = tpu.memref_slice %arg4[%mul3A_2, %dma_wait3A_13] : memref<4608x256xf32, #tpu.memory_space<hbm>> -> memref<144x256xf32, #tpu.memory_space<hbm>>
      tpu.wait_dma2 semaphore(%run_scoped3A : memref<!tpu.dma_semaphore, #tpu.memory_space<semaphore_mem>>) src(%arg6 : memref<144x256xf32, #tpu.memory_space<vmem>>) dst(%dma_wait3A_14 : memref<144x256xf32, #tpu.memory_space<hbm>>)
      tpu.yield
    }) : () -> ()
    return
  }
}

module attributes {stable_mosaic.version = 14 : i64} {
  func.func @_vq_kernel(%arg0: i32, %arg1: memref<192x256xf32, #tpu.memory_space<vmem>>, %arg2: memref<8192x128xf32, #tpu.memory_space<vmem>>, %arg3: memref<8192x128xf32, #tpu.memory_space<vmem>>, %arg4: memref<192x1xi32, #tpu.memory_space<vmem>>, %arg5: memref<8192x256xf32, #tpu.memory_space<vmem>>, %arg6: memref<1x1xf32, #tpu.memory_space<vmem>>, %arg7: memref<1x1xf32, #tpu.memory_space<vmem>>, %arg8: memref<1x1xf32, #tpu.memory_space<vmem>>, %arg9: memref<1x1xf32, #tpu.memory_space<vmem>>, %arg10: memref<8192x128xbf16, #tpu.memory_space<vmem>>, %arg11: memref<8192x128xbf16, #tpu.memory_space<vmem>>, %arg12: memref<1x8192xf32, #tpu.memory_space<vmem>>, %arg13: memref<1x8192xf32, #tpu.memory_space<vmem>>, %arg14: memref<1x8192xf32, #tpu.memory_space<vmem>>, %arg15: memref<2x8192xf32, #tpu.memory_space<vmem>>) attributes {dimension_semantics = [#tpu.dimension_semantics<arbitrary>], iteration_bounds = array<i64: 24>, scalar_prefetch = 0 : i64, scratch_operands = 6 : i64, tpu.core_type = #tpu.core_type<tc>, window_params = [{transform_indices = @transform_0, window_bounds = array<i64: 192, 256>}, {pipeline_mode = #tpu.pipeline_mode<synchronous>, transform_indices = @transform_1, window_bounds = array<i64: 8192, 128>}, {pipeline_mode = #tpu.pipeline_mode<synchronous>, transform_indices = @transform_2, window_bounds = array<i64: 8192, 128>}, {transform_indices = @transform_3, window_bounds = array<i64: 192, 1>}, {pipeline_mode = #tpu.pipeline_mode<synchronous>, transform_indices = @transform_4, window_bounds = array<i64: 8192, 256>}, {pipeline_mode = #tpu.pipeline_mode<synchronous>, transform_indices = @transform_5, window_bounds = array<i64: 1, 1>}, {pipeline_mode = #tpu.pipeline_mode<synchronous>, transform_indices = @transform_6, window_bounds = array<i64: 1, 1>}, {pipeline_mode = #tpu.pipeline_mode<synchronous>, transform_indices = @transform_7, window_bounds = array<i64: 1, 1>}, {pipeline_mode = #tpu.pipeline_mode<synchronous>, transform_indices = @transform_8, window_bounds = array<i64: 1, 1>}]} {
    %eq3A = arith.constant 0 : i32
    %eq3A_0 = arith.cmpi eq, %arg0, %eq3A : i32
    %convert_element_type3A = arith.extui %eq3A_0 : i1 to i32
    %cond3A = arith.constant 0 : i32
    %cond3A_1 = arith.cmpi ne, %convert_element_type3A, %cond3A : i32
    scf.if %cond3A_1 {
      %get3A_136 = arith.constant 0 : index
      %get3A_137 = arith.constant 0 : index
      %get3A_138 = vector.load %arg2[%get3A_136, %get3A_137] : memref<8192x128xf32, #tpu.memory_space<vmem>>, vector<8192x128xf32>
      %mul3A_139 = arith.mulf %get3A_138, %get3A_138 : vector<8192x128xf32>
      %reduce_sum3A_140 = arith.constant dense<0.000000e+00> : vector<8192xf32>
      %reduce_sum3A_141 = vector.multi_reduction <add>, %mul3A_139, %reduce_sum3A_140 [1] : vector<8192x128xf32> to vector<8192xf32>
      %broadcast_in_dim3A_142 = vector.shape_cast %reduce_sum3A_141 : vector<8192xf32> to vector<8192x1xf32>
      %sqrt3A_143 = math.sqrt %broadcast_in_dim3A_142 : vector<8192x1xf32>
      %max3A_144 = arith.constant 9.99999996E-13 : f32
      %max3A_145 = vector.broadcast %max3A_144 : f32 to vector<8192x1xf32>
      %max3A_146 = arith.maximumf %sqrt3A_143, %max3A_145 : vector<8192x1xf32>
      %div3A_147 = vector.broadcast %max3A_146 : vector<8192x1xf32> to vector<8192x128xf32>
      %div3A_148 = arith.divf %get3A_138, %div3A_147 : vector<8192x128xf32>
      %get3A_149 = arith.constant 0 : index
      %get3A_150 = arith.constant 0 : index
      %get3A_151 = vector.load %arg3[%get3A_149, %get3A_150] : memref<8192x128xf32, #tpu.memory_space<vmem>>, vector<8192x128xf32>
      %mul3A_152 = arith.mulf %get3A_151, %get3A_151 : vector<8192x128xf32>
      %reduce_sum3A_153 = arith.constant dense<0.000000e+00> : vector<8192xf32>
      %reduce_sum3A_154 = vector.multi_reduction <add>, %mul3A_152, %reduce_sum3A_153 [1] : vector<8192x128xf32> to vector<8192xf32>
      %broadcast_in_dim3A_155 = vector.shape_cast %reduce_sum3A_154 : vector<8192xf32> to vector<8192x1xf32>
      %sqrt3A_156 = math.sqrt %broadcast_in_dim3A_155 : vector<8192x1xf32>
      %max3A_157 = arith.constant 9.99999996E-13 : f32
      %max3A_158 = vector.broadcast %max3A_157 : f32 to vector<8192x1xf32>
      %max3A_159 = arith.maximumf %sqrt3A_156, %max3A_158 : vector<8192x1xf32>
      %div3A_160 = vector.broadcast %max3A_159 : vector<8192x1xf32> to vector<8192x128xf32>
      %div3A_161 = arith.divf %get3A_151, %div3A_160 : vector<8192x128xf32>
      %swap3A_162 = arith.constant 0 : index
      %swap3A_163 = arith.constant 0 : index
      %swap3A_164 = vector.load %arg5[%swap3A_162, %swap3A_163] : memref<8192x256xf32, #tpu.memory_space<vmem>>, vector<8192x128xf32>
      tpu.vector_store %arg5[%swap3A_162, %swap3A_163], %div3A_148 {strides = array<i32>} : memref<8192x256xf32, #tpu.memory_space<vmem>>, vector<8192x128xf32>,
      %swap3A_165 = arith.constant 0 : index
      %swap3A_166 = arith.constant 128 : index
      %swap3A_167 = vector.load %arg5[%swap3A_165, %swap3A_166] : memref<8192x256xf32, #tpu.memory_space<vmem>>, vector<8192x128xf32>
      tpu.vector_store %arg5[%swap3A_165, %swap3A_166], %div3A_161 {strides = array<i32>} : memref<8192x256xf32, #tpu.memory_space<vmem>>, vector<8192x128xf32>,
      %convert_element_type3A_168 = arith.truncf %div3A_148 : vector<8192x128xf32> to vector<8192x128xbf16>
      %swap3A_169 = arith.constant 0 : index
      %swap3A_170 = arith.constant 0 : index
      %swap3A_171 = vector.load %arg10[%swap3A_169, %swap3A_170] : memref<8192x128xbf16, #tpu.memory_space<vmem>>, vector<8192x128xbf16>
      tpu.vector_store %arg10[%swap3A_169, %swap3A_170], %convert_element_type3A_168 {strides = array<i32>} : memref<8192x128xbf16, #tpu.memory_space<vmem>>, vector<8192x128xbf16>,
      %convert_element_type3A_172 = arith.truncf %div3A_161 : vector<8192x128xf32> to vector<8192x128xbf16>
      %swap3A_173 = arith.constant 0 : index
      %swap3A_174 = arith.constant 0 : index
      %swap3A_175 = vector.load %arg11[%swap3A_173, %swap3A_174] : memref<8192x128xbf16, #tpu.memory_space<vmem>>, vector<8192x128xbf16>
      tpu.vector_store %arg11[%swap3A_173, %swap3A_174], %convert_element_type3A_172 {strides = array<i32>} : memref<8192x128xbf16, #tpu.memory_space<vmem>>, vector<8192x128xbf16>,
      %broadcast_in_dim3A_176 = arith.constant 1.000000e+00 : f32
      %broadcast_in_dim3A_177 = vector.broadcast %broadcast_in_dim3A_176 : f32 to vector<1x128xf32>
      %mul3A_178 = arith.mulf %div3A_148, %div3A_148 : vector<8192x128xf32>
      %dot_general3A_179 = arith.constant dense<0.000000e+00> : vector<1x8192xf32>
      %dot_general3A_180 = tpu.matmul %broadcast_in_dim3A_177, %mul3A_178, %dot_general3A_179 {dimension_numbers = #tpu.dot_dimension_numbers<[1], [1], [0], [0], [0, 0, 1, 0], [], []>, precision = #tpu.contract_precision<fp32>, transpose_lhs_hint = false} : vector<1x128xf32>, vector<8192x128xf32>, vector<1x8192xf32> -> vector<1x8192xf32>
      %swap3A_181 = arith.constant 0 : index
      %swap3A_182 = arith.constant 0 : index
      %swap3A_183 = vector.load %arg12[%swap3A_181, %swap3A_182] : memref<1x8192xf32, #tpu.memory_space<vmem>>, vector<1x8192xf32>
      tpu.vector_store %arg12[%swap3A_181, %swap3A_182], %dot_general3A_180 {strides = array<i32>} : memref<1x8192xf32, #tpu.memory_space<vmem>>, vector<1x8192xf32>,
      %mul3A_184 = arith.mulf %div3A_161, %div3A_161 : vector<8192x128xf32>
      %dot_general3A_185 = arith.constant dense<0.000000e+00> : vector<1x8192xf32>
      %dot_general3A_186 = tpu.matmul %broadcast_in_dim3A_177, %mul3A_184, %dot_general3A_185 {dimension_numbers = #tpu.dot_dimension_numbers<[1], [1], [0], [0], [0, 0, 1, 0], [], []>, precision = #tpu.contract_precision<fp32>, transpose_lhs_hint = false} : vector<1x128xf32>, vector<8192x128xf32>, vector<1x8192xf32> -> vector<1x8192xf32>
      %swap3A_187 = arith.constant 0 : index
      %swap3A_188 = arith.constant 0 : index
      %swap3A_189 = vector.load %arg13[%swap3A_187, %swap3A_188] : memref<1x8192xf32, #tpu.memory_space<vmem>>, vector<1x8192xf32>
      tpu.vector_store %arg13[%swap3A_187, %swap3A_188], %dot_general3A_186 {strides = array<i32>} : memref<1x8192xf32, #tpu.memory_space<vmem>>, vector<1x8192xf32>,
      %broadcast_in_dim3A_190 = arith.constant 0.000000e+00 : f32
      %broadcast_in_dim3A_191 = vector.broadcast %broadcast_in_dim3A_190 : f32 to vector<1x8192xf32>
      %swap3A_192 = arith.constant 0 : index
      %swap3A_193 = arith.constant 0 : index
      %swap3A_194 = vector.load %arg14[%swap3A_192, %swap3A_193] : memref<1x8192xf32, #tpu.memory_space<vmem>>, vector<1x8192xf32>
      tpu.vector_store %arg14[%swap3A_192, %swap3A_193], %broadcast_in_dim3A_191 {strides = array<i32>} : memref<1x8192xf32, #tpu.memory_space<vmem>>, vector<1x8192xf32>,
      %broadcast_in_dim3A_195 = arith.constant 0.000000e+00 : f32
      %broadcast_in_dim3A_196 = vector.broadcast %broadcast_in_dim3A_195 : f32 to vector<2x8192xf32>
      %swap3A_197 = arith.constant 0 : index
      %swap3A_198 = arith.constant 0 : index
      %swap3A_199 = vector.load %arg15[%swap3A_197, %swap3A_198] : memref<2x8192xf32, #tpu.memory_space<vmem>>, vector<2x8192xf32>
      tpu.vector_store %arg15[%swap3A_197, %swap3A_198], %broadcast_in_dim3A_196 {strides = array<i32>} : memref<2x8192xf32, #tpu.memory_space<vmem>>, vector<2x8192xf32>,
      %broadcast_in_dim3A_200 = arith.constant 0.000000e+00 : f32
      %broadcast_in_dim3A_201 = vector.broadcast %broadcast_in_dim3A_200 : f32 to vector<1x1xf32>
      %swap3A_202 = arith.constant 0 : index
      %swap3A_203 = arith.constant 0 : index
      %swap3A_204 = vector.load %arg6[%swap3A_202, %swap3A_203] : memref<1x1xf32, #tpu.memory_space<vmem>>, vector<1x1xf32>
      tpu.vector_store %arg6[%swap3A_202, %swap3A_203], %broadcast_in_dim3A_201 {strides = array<i32>} : memref<1x1xf32, #tpu.memory_space<vmem>>, vector<1x1xf32>,
      %swap3A_205 = arith.constant 0 : index
      %swap3A_206 = arith.constant 0 : index
      %swap3A_207 = vector.load %arg7[%swap3A_205, %swap3A_206] : memref<1x1xf32, #tpu.memory_space<vmem>>, vector<1x1xf32>
      tpu.vector_store %arg7[%swap3A_205, %swap3A_206], %broadcast_in_dim3A_201 {strides = array<i32>} : memref<1x1xf32, #tpu.memory_space<vmem>>, vector<1x1xf32>,
    } else {
    }
    %get3A = arith.constant 0 : index
    %get3A_2 = arith.constant 0 : index
    %get3A_3 = vector.load %arg1[%get3A, %get3A_2] : memref<192x256xf32, #tpu.memory_space<vmem>>, vector<192x256xf32>
    %slice3A = vector.extract_strided_slice %get3A_3 {offsets = [0, 0], sizes = [192, 128], strides = [1, 1]} : vector<192x256xf32> to vector<192x128xf32>
    %slice3A_4 = vector.extract_strided_slice %get3A_3 {offsets = [0, 128], sizes = [192, 128], strides = [1, 1]} : vector<192x256xf32> to vector<192x128xf32>
    %mul3A = arith.mulf %slice3A, %slice3A : vector<192x128xf32>
    %reduce_sum3A = arith.constant dense<0.000000e+00> : vector<192xf32>
    %reduce_sum3A_5 = vector.multi_reduction <add>, %mul3A, %reduce_sum3A [1] : vector<192x128xf32> to vector<192xf32>
    %broadcast_in_dim3A = vector.shape_cast %reduce_sum3A_5 : vector<192xf32> to vector<192x1xf32>
    %sqrt3A = math.sqrt %broadcast_in_dim3A : vector<192x1xf32>
    %max3A = arith.constant 9.99999996E-13 : f32
    %max3A_6 = vector.broadcast %max3A : f32 to vector<192x1xf32>
    %max3A_7 = arith.maximumf %sqrt3A, %max3A_6 : vector<192x1xf32>
    %div3A = vector.broadcast %max3A_7 : vector<192x1xf32> to vector<192x128xf32>
    %div3A_8 = arith.divf %slice3A, %div3A : vector<192x128xf32>
    %mul3A_9 = arith.mulf %slice3A_4, %slice3A_4 : vector<192x128xf32>
    %reduce_sum3A_10 = arith.constant dense<0.000000e+00> : vector<192xf32>
    %reduce_sum3A_11 = vector.multi_reduction <add>, %mul3A_9, %reduce_sum3A_10 [1] : vector<192x128xf32> to vector<192xf32>
    %broadcast_in_dim3A_12 = vector.shape_cast %reduce_sum3A_11 : vector<192xf32> to vector<192x1xf32>
    %sqrt3A_13 = math.sqrt %broadcast_in_dim3A_12 : vector<192x1xf32>
    %max3A_14 = arith.constant 9.99999996E-13 : f32
    %max3A_15 = vector.broadcast %max3A_14 : f32 to vector<192x1xf32>
    %max3A_16 = arith.maximumf %sqrt3A_13, %max3A_15 : vector<192x1xf32>
    %div3A_17 = vector.broadcast %max3A_16 : vector<192x1xf32> to vector<192x128xf32>
    %div3A_18 = arith.divf %slice3A_4, %div3A_17 : vector<192x128xf32>
    %mul3A_19 = arith.mulf %div3A_8, %div3A_8 : vector<192x128xf32>
    %reduce_sum3A_20 = arith.constant dense<0.000000e+00> : vector<192xf32>
    %reduce_sum3A_21 = vector.multi_reduction <add>, %mul3A_19, %reduce_sum3A_20 [1] : vector<192x128xf32> to vector<192xf32>
    %broadcast_in_dim3A_22 = vector.shape_cast %reduce_sum3A_21 : vector<192xf32> to vector<192x1xf32>
    %mul3A_23 = arith.mulf %div3A_18, %div3A_18 : vector<192x128xf32>
    %reduce_sum3A_24 = arith.constant dense<0.000000e+00> : vector<192xf32>
    %reduce_sum3A_25 = vector.multi_reduction <add>, %mul3A_23, %reduce_sum3A_24 [1] : vector<192x128xf32> to vector<192xf32>
    %broadcast_in_dim3A_26 = vector.shape_cast %reduce_sum3A_25 : vector<192xf32> to vector<192x1xf32>
    %convert_element_type3A_27 = arith.truncf %div3A_8 : vector<192x128xf32> to vector<192x128xbf16>
    %get3A_28 = arith.constant 0 : index
    %get3A_29 = arith.constant 0 : index
    %get3A_30 = vector.load %arg10[%get3A_28, %get3A_29] : memref<8192x128xbf16, #tpu.memory_space<vmem>>, vector<8192x128xbf16>
    %dot_general3A = arith.constant dense<0.000000e+00> : vector<192x8192xf32>
    %dot_general3A_31 = tpu.matmul %convert_element_type3A_27, %get3A_30, %dot_general3A {dimension_numbers = #tpu.dot_dimension_numbers<[1], [1], [0], [0], [0, 0, 1, 0], [], []>, transpose_lhs_hint = false} : vector<192x128xbf16>, vector<8192x128xbf16>, vector<192x8192xf32> -> vector<192x8192xf32>
    %convert_element_type3A_32 = arith.truncf %div3A_18 : vector<192x128xf32> to vector<192x128xbf16>
    %get3A_33 = arith.constant 0 : index
    %get3A_34 = arith.constant 0 : index
    %get3A_35 = vector.load %arg11[%get3A_33, %get3A_34] : memref<8192x128xbf16, #tpu.memory_space<vmem>>, vector<8192x128xbf16>
    %dot_general3A_36 = arith.constant dense<0.000000e+00> : vector<192x8192xf32>
    %dot_general3A_37 = tpu.matmul %convert_element_type3A_32, %get3A_35, %dot_general3A_36 {dimension_numbers = #tpu.dot_dimension_numbers<[1], [1], [0], [0], [0, 0, 1, 0], [], []>, transpose_lhs_hint = false} : vector<192x128xbf16>, vector<8192x128xbf16>, vector<192x8192xf32> -> vector<192x8192xf32>
    %get3A_38 = arith.constant 0 : index
    %get3A_39 = arith.constant 0 : index
    %get3A_40 = vector.load %arg12[%get3A_38, %get3A_39] : memref<1x8192xf32, #tpu.memory_space<vmem>>, vector<1x8192xf32>
    %add3A = vector.broadcast %broadcast_in_dim3A_22 : vector<192x1xf32> to vector<192x8192xf32>
    %add3A_41 = vector.broadcast %get3A_40 : vector<1x8192xf32> to vector<192x8192xf32>
    %add3A_42 = arith.addf %add3A, %add3A_41 : vector<192x8192xf32>
    %mul3A_43 = arith.constant 2.000000e+00 : f32
    %mul3A_44 = vector.broadcast %mul3A_43 : f32 to vector<192x8192xf32>
    %mul3A_45 = arith.mulf %mul3A_44, %dot_general3A_31 : vector<192x8192xf32>
    %sub3A = arith.subf %add3A_42, %mul3A_45 : vector<192x8192xf32>
    %get3A_46 = arith.constant 0 : index
    %get3A_47 = arith.constant 0 : index
    %get3A_48 = vector.load %arg13[%get3A_46, %get3A_47] : memref<1x8192xf32, #tpu.memory_space<vmem>>, vector<1x8192xf32>
    %add3A_49 = vector.broadcast %broadcast_in_dim3A_26 : vector<192x1xf32> to vector<192x8192xf32>
    %add3A_50 = vector.broadcast %get3A_48 : vector<1x8192xf32> to vector<192x8192xf32>
    %add3A_51 = arith.addf %add3A_49, %add3A_50 : vector<192x8192xf32>
    %mul3A_52 = arith.constant 2.000000e+00 : f32
    %mul3A_53 = vector.broadcast %mul3A_52 : f32 to vector<192x8192xf32>
    %mul3A_54 = arith.mulf %mul3A_53, %dot_general3A_37 : vector<192x8192xf32>
    %sub3A_55 = arith.subf %add3A_51, %mul3A_54 : vector<192x8192xf32>
    %add3A_56 = arith.addf %sub3A, %sub3A_55 : vector<192x8192xf32>
    %broadcast_in_dim3A_57 = arith.constant 1.000000e+00 : f32
    %broadcast_in_dim3A_58 = vector.broadcast %broadcast_in_dim3A_57 : f32 to vector<1x192xf32>
    %broadcast_in_dim3A_59 = arith.constant 1.000000e+00 : f32
    %broadcast_in_dim3A_60 = vector.broadcast %broadcast_in_dim3A_59 : f32 to vector<8192x8xf32>
    %get3A_61 = arith.constant 0 : index
    %get3A_62 = arith.constant 0 : index
    %get3A_63 = vector.load %arg15[%get3A_61, %get3A_62] : memref<2x8192xf32, #tpu.memory_space<vmem>>, vector<2x8192xf32>
    %mul3A_64 = arith.mulf %sub3A, %sub3A : vector<192x8192xf32>
    %dot_general3A_65 = arith.constant dense<0.000000e+00> : vector<1x8192xf32>
    %dot_general3A_66 = tpu.matmul %broadcast_in_dim3A_58, %mul3A_64, %dot_general3A_65 {dimension_numbers = #tpu.dot_dimension_numbers<[1], [0], [0], [1], [0, 0, 1, 1], [], []>, transpose_lhs_hint = false} : vector<1x192xf32>, vector<192x8192xf32>, vector<1x8192xf32> -> vector<1x8192xf32>
    %mul3A_67 = arith.mulf %sub3A_55, %sub3A_55 : vector<192x8192xf32>
    %dot_general3A_68 = arith.constant dense<0.000000e+00> : vector<1x8192xf32>
    %dot_general3A_69 = tpu.matmul %broadcast_in_dim3A_58, %mul3A_67, %dot_general3A_68 {dimension_numbers = #tpu.dot_dimension_numbers<[1], [0], [0], [1], [0, 0, 1, 1], [], []>, transpose_lhs_hint = false} : vector<1x192xf32>, vector<192x8192xf32>, vector<1x8192xf32> -> vector<1x8192xf32>
    %concatenate3A = tpu.concatenate %dot_general3A_66, %dot_general3A_69 in 0 : vector<1x8192xf32>, vector<1x8192xf32> -> vector<2x8192xf32>
    %add3A_70 = arith.addf %get3A_63, %concatenate3A : vector<2x8192xf32>
    %swap3A = arith.constant 0 : index
    %swap3A_71 = arith.constant 0 : index
    %swap3A_72 = vector.load %arg15[%swap3A, %swap3A_71] : memref<2x8192xf32, #tpu.memory_space<vmem>>, vector<2x8192xf32>
    tpu.vector_store %arg15[%swap3A, %swap3A_71], %add3A_70 {strides = array<i32>} : memref<2x8192xf32, #tpu.memory_space<vmem>>, vector<2x8192xf32>,
    %argmin3A = tpu.reduce_index %add3A_56 {axis = 1 : i32, kind = #tpu.reduction_kind<arg_min>} : vector<192x8192xf32> -> vector<192xi32>
    %reduce_min3A = arith.constant dense<0x7F800000> : vector<192xf32>
    %reduce_min3A_73 = vector.multi_reduction <minimumf>, %add3A_56, %reduce_min3A [1] : vector<192x8192xf32> to vector<192xf32>
    %broadcast_in_dim3A_74 = vector.shape_cast %reduce_min3A_73 : vector<192xf32> to vector<192x1xf32>
    %reshape3A = vector.shape_cast %argmin3A : vector<192xi32> to vector<192x1xi32>
    %swap3A_75 = arith.constant 0 : index
    %swap3A_76 = arith.constant 0 : index
    %swap3A_77 = vector.load %arg4[%swap3A_75, %swap3A_76] : memref<192x1xi32, #tpu.memory_space<vmem>>, vector<192x1xi32>
    tpu.vector_store %arg4[%swap3A_75, %swap3A_76], %reshape3A {strides = array<i32>} : memref<192x1xi32, #tpu.memory_space<vmem>>, vector<192x1xi32>,
    %get3A_78 = arith.constant 0 : index
    %get3A_79 = arith.constant 0 : index
    %get3A_80 = vector.load %arg6[%get3A_78, %get3A_79] : memref<1x1xf32, #tpu.memory_space<vmem>>, vector<1x1xf32>
    %reduce_sum3A_81 = vector.shape_cast %broadcast_in_dim3A_74 : vector<192x1xf32> to vector<1x192x1xf32>
    %reduce_sum3A_82 = arith.constant dense<0.000000e+00> : vector<1xf32>
    %reduce_sum3A_83 = vector.multi_reduction <add>, %reduce_sum3A_81, %reduce_sum3A_82 [1, 2] : vector<1x192x1xf32> to vector<1xf32>
    %reduce_sum3A_84 = vector.shape_cast %reduce_sum3A_83 : vector<1xf32> to vector<1x1x1xf32>
    %reduce_sum3A_85 = vector.extract %reduce_sum3A_84[0, 0, 0] : f32 from vector<1x1x1xf32>
    %reshape3A_86 = vector.broadcast %reduce_sum3A_85 : f32 to vector<1x1xf32>
    %add3A_87 = arith.addf %get3A_80, %reshape3A_86 : vector<1x1xf32>
    %swap3A_88 = arith.constant 0 : index
    %swap3A_89 = arith.constant 0 : index
    %swap3A_90 = vector.load %arg6[%swap3A_88, %swap3A_89] : memref<1x1xf32, #tpu.memory_space<vmem>>, vector<1x1xf32>
    tpu.vector_store %arg6[%swap3A_88, %swap3A_89], %add3A_87 {strides = array<i32>} : memref<1x1xf32, #tpu.memory_space<vmem>>, vector<1x1xf32>,
    %sub3A_91 = vector.broadcast %broadcast_in_dim3A_74 : vector<192x1xf32> to vector<192x8192xf32>
    %sub3A_92 = arith.subf %sub3A_91, %add3A_56 : vector<192x8192xf32>
    %mul3A_93 = arith.constant 1.000000e+02 : f32
    %mul3A_94 = vector.broadcast %mul3A_93 : f32 to vector<192x8192xf32>
    %mul3A_95 = arith.mulf %sub3A_92, %mul3A_94 : vector<192x8192xf32>
    %exp3A = math.exp %mul3A_95 : vector<192x8192xf32>
    %dot_general3A_96 = arith.constant dense<0.000000e+00> : vector<192x8xf32>
    %dot_general3A_97 = tpu.matmul %exp3A, %broadcast_in_dim3A_60, %dot_general3A_96 {dimension_numbers = #tpu.dot_dimension_numbers<[1], [0], [0], [1], [0, 0, 1, 1], [], []>, transpose_lhs_hint = false} : vector<192x8192xf32>, vector<8192x8xf32>, vector<192x8xf32> -> vector<192x8xf32>
    %slice3A_98 = vector.extract_strided_slice %dot_general3A_97 {offsets = [0, 0], sizes = [192, 1], strides = [1, 1]} : vector<192x8xf32> to vector<192x1xf32>
    %div3A_99 = arith.constant 1.000000e+00 : f32
    %div3A_100 = vector.broadcast %div3A_99 : f32 to vector<192x1xf32>
    %div3A_101 = arith.divf %div3A_100, %slice3A_98 : vector<192x1xf32>
    %mul3A_102 = arith.mulf %exp3A, %mul3A_95 : vector<192x8192xf32>
    %dot_general3A_103 = arith.constant dense<0.000000e+00> : vector<192x8xf32>
    %dot_general3A_104 = tpu.matmul %mul3A_102, %broadcast_in_dim3A_60, %dot_general3A_103 {dimension_numbers = #tpu.dot_dimension_numbers<[1], [0], [0], [1], [0, 0, 1, 1], [], []>, transpose_lhs_hint = false} : vector<192x8192xf32>, vector<8192x8xf32>, vector<192x8xf32> -> vector<192x8xf32>
    %slice3A_105 = vector.extract_strided_slice %dot_general3A_104 {offsets = [0, 0], sizes = [192, 1], strides = [1, 1]} : vector<192x8xf32> to vector<192x1xf32>
    %get3A_106 = arith.constant 0 : index
    %get3A_107 = arith.constant 0 : index
    %get3A_108 = vector.load %arg7[%get3A_106, %get3A_107] : memref<1x1xf32, #tpu.memory_space<vmem>>, vector<1x1xf32>
    %mul3A_109 = arith.mulf %slice3A_105, %div3A_101 : vector<192x1xf32>
    %log3A = math.log %slice3A_98 : vector<192x1xf32>
    %sub3A_110 = arith.subf %mul3A_109, %log3A : vector<192x1xf32>
    %reduce_sum3A_111 = vector.shape_cast %sub3A_110 : vector<192x1xf32> to vector<1x192x1xf32>
    %reduce_sum3A_112 = arith.constant dense<0.000000e+00> : vector<1xf32>
    %reduce_sum3A_113 = vector.multi_reduction <add>, %reduce_sum3A_111, %reduce_sum3A_112 [1, 2] : vector<1x192x1xf32> to vector<1xf32>
    %reduce_sum3A_114 = vector.shape_cast %reduce_sum3A_113 : vector<1xf32> to vector<1x1x1xf32>
    %reduce_sum3A_115 = vector.extract %reduce_sum3A_114[0, 0, 0] : f32 from vector<1x1x1xf32>
    %reshape3A_116 = vector.broadcast %reduce_sum3A_115 : f32 to vector<1x1xf32>
    %add3A_117 = arith.addf %get3A_108, %reshape3A_116 : vector<1x1xf32>
    %swap3A_118 = arith.constant 0 : index
    %swap3A_119 = arith.constant 0 : index
    %swap3A_120 = vector.load %arg7[%swap3A_118, %swap3A_119] : memref<1x1xf32, #tpu.memory_space<vmem>>, vector<1x1xf32>
    tpu.vector_store %arg7[%swap3A_118, %swap3A_119], %add3A_117 {strides = array<i32>} : memref<1x1xf32, #tpu.memory_space<vmem>>, vector<1x1xf32>,
    %get3A_121 = arith.constant 0 : index
    %get3A_122 = arith.constant 0 : index
    %get3A_123 = vector.load %arg14[%get3A_121, %get3A_122] : memref<1x8192xf32, #tpu.memory_space<vmem>>, vector<1x8192xf32>
    %reshape3A_124 = vector.shape_cast %div3A_101 : vector<192x1xf32> to vector<1x192xf32>
    %dot_general3A_125 = arith.constant dense<0.000000e+00> : vector<1x8192xf32>
    %dot_general3A_126 = tpu.matmul %reshape3A_124, %exp3A, %dot_general3A_125 {dimension_numbers = #tpu.dot_dimension_numbers<[1], [0], [0], [1], [0, 0, 1, 1], [], []>, transpose_lhs_hint = false} : vector<1x192xf32>, vector<192x8192xf32>, vector<1x8192xf32> -> vector<1x8192xf32>
    %add3A_127 = arith.addf %get3A_123, %dot_general3A_126 : vector<1x8192xf32>
    %swap3A_128 = arith.constant 0 : index
    %swap3A_129 = arith.constant 0 : index
    %swap3A_130 = vector.load %arg14[%swap3A_128, %swap3A_129] : memref<1x8192xf32, #tpu.memory_space<vmem>>, vector<1x8192xf32>
    tpu.vector_store %arg14[%swap3A_128, %swap3A_129], %add3A_127 {strides = array<i32>} : memref<1x8192xf32, #tpu.memory_space<vmem>>, vector<1x8192xf32>,
    %eq3A_131 = arith.constant 23 : i32
    %eq3A_132 = arith.cmpi eq, %arg0, %eq3A_131 : i32
    %convert_element_type3A_133 = arith.extui %eq3A_132 : i1 to i32
    %cond3A_134 = arith.constant 0 : i32
    %cond3A_135 = arith.cmpi ne, %convert_element_type3A_133, %cond3A_134 : i32
    scf.if %cond3A_135 {
      %get3A_136 = arith.constant 0 : index
      %get3A_137 = arith.constant 0 : index
      %get3A_138 = vector.load %arg6[%get3A_136, %get3A_137] : memref<1x1xf32, #tpu.memory_space<vmem>>, vector<1x1xf32>
      %mul3A_139 = arith.constant 4.608000e+03 : f32
      %mul3A_140 = arith.constant 2.560000e+02 : f32
      %mul3A_141 = arith.mulf %mul3A_139, %mul3A_140 : f32
      %div3A_142 = vector.broadcast %mul3A_141 : f32 to vector<1x1xf32>
      %div3A_143 = arith.divf %get3A_138, %div3A_142 : vector<1x1xf32>
      %swap3A_144 = arith.constant 0 : index
      %swap3A_145 = arith.constant 0 : index
      %swap3A_146 = vector.load %arg6[%swap3A_144, %swap3A_145] : memref<1x1xf32, #tpu.memory_space<vmem>>, vector<1x1xf32>
      tpu.vector_store %arg6[%swap3A_144, %swap3A_145], %div3A_143 {strides = array<i32>} : memref<1x1xf32, #tpu.memory_space<vmem>>, vector<1x1xf32>,
      %get3A_147 = arith.constant 0 : index
      %get3A_148 = arith.constant 0 : index
      %get3A_149 = vector.load %arg7[%get3A_147, %get3A_148] : memref<1x1xf32, #tpu.memory_space<vmem>>, vector<1x1xf32>
      %div3A_150 = arith.constant 4.608000e+03 : f32
      %div3A_151 = vector.broadcast %div3A_150 : f32 to vector<1x1xf32>
      %div3A_152 = arith.divf %get3A_149, %div3A_151 : vector<1x1xf32>
      %neg3A = arith.constant 0.000000e+00 : f32
      %neg3A_153 = vector.broadcast %neg3A : f32 to vector<1x1xf32>
      %neg3A_154 = arith.subf %neg3A_153, %div3A_152 : vector<1x1xf32>
      %get3A_155 = arith.constant 0 : index
      %get3A_156 = arith.constant 0 : index
      %get3A_157 = vector.load %arg14[%get3A_155, %get3A_156] : memref<1x8192xf32, #tpu.memory_space<vmem>>, vector<1x8192xf32>
      %div3A_158 = arith.constant 4.608000e+03 : f32
      %div3A_159 = vector.broadcast %div3A_158 : f32 to vector<1x8192xf32>
      %div3A_160 = arith.divf %get3A_157, %div3A_159 : vector<1x8192xf32>
      %add3A_161 = arith.constant 9.99999974E-6 : f32
      %add3A_162 = vector.broadcast %add3A_161 : f32 to vector<1x8192xf32>
      %add3A_163 = arith.addf %div3A_160, %add3A_162 : vector<1x8192xf32>
      %log3A_164 = math.log %add3A_163 : vector<1x8192xf32>
      %mul3A_165 = arith.mulf %div3A_160, %log3A_164 : vector<1x8192xf32>
      %reduce_sum3A_166 = vector.shape_cast %mul3A_165 : vector<1x8192xf32> to vector<1x1x8192xf32>
      %reduce_sum3A_167 = arith.constant dense<0.000000e+00> : vector<1xf32>
      %reduce_sum3A_168 = vector.multi_reduction <add>, %reduce_sum3A_166, %reduce_sum3A_167 [1, 2] : vector<1x1x8192xf32> to vector<1xf32>
      %reduce_sum3A_169 = vector.shape_cast %reduce_sum3A_168 : vector<1xf32> to vector<1x1x1xf32>
      %reduce_sum3A_170 = vector.extract %reduce_sum3A_169[0, 0, 0] : f32 from vector<1x1x1xf32>
      %reshape3A_171 = vector.broadcast %reduce_sum3A_170 : f32 to vector<1x1xf32>
      %neg3A_172 = arith.constant 0.000000e+00 : f32
      %neg3A_173 = vector.broadcast %neg3A_172 : f32 to vector<1x1xf32>
      %neg3A_174 = arith.subf %neg3A_173, %reshape3A_171 : vector<1x1xf32>
      %sub3A_175 = arith.subf %neg3A_154, %neg3A_174 : vector<1x1xf32>
      %mul3A_176 = arith.constant 1.000000e-01 : f32
      %mul3A_177 = vector.broadcast %mul3A_176 : f32 to vector<1x1xf32>
      %mul3A_178 = arith.mulf %mul3A_177, %sub3A_175 : vector<1x1xf32>
      %swap3A_179 = arith.constant 0 : index
      %swap3A_180 = arith.constant 0 : index
      %swap3A_181 = vector.load %arg7[%swap3A_179, %swap3A_180] : memref<1x1xf32, #tpu.memory_space<vmem>>, vector<1x1xf32>
      tpu.vector_store %arg7[%swap3A_179, %swap3A_180], %mul3A_178 {strides = array<i32>} : memref<1x1xf32, #tpu.memory_space<vmem>>, vector<1x1xf32>,
      %get3A_182 = arith.constant 0 : index
      %get3A_183 = arith.constant 0 : index
      %get3A_184 = vector.load %arg15[%get3A_182, %get3A_183] : memref<2x8192xf32, #tpu.memory_space<vmem>>, vector<2x8192xf32>
      %slice3A_185 = vector.extract_strided_slice %get3A_184 {offsets = [0, 0], sizes = [1, 8192], strides = [1, 1]} : vector<2x8192xf32> to vector<1x8192xf32>
      %reduce_sum3A_186 = vector.shape_cast %slice3A_185 : vector<1x8192xf32> to vector<1x1x8192xf32>
      %reduce_sum3A_187 = arith.constant dense<0.000000e+00> : vector<1xf32>
      %reduce_sum3A_188 = vector.multi_reduction <add>, %reduce_sum3A_186, %reduce_sum3A_187 [1, 2] : vector<1x1x8192xf32> to vector<1xf32>
      %reduce_sum3A_189 = vector.shape_cast %reduce_sum3A_188 : vector<1xf32> to vector<1x1x1xf32>
      %reduce_sum3A_190 = vector.extract %reduce_sum3A_189[0, 0, 0] : f32 from vector<1x1x1xf32>
      %div3A_191 = arith.constant 4.608000e+03 : f32
      %div3A_192 = arith.divf %reduce_sum3A_190, %div3A_191 : f32
      %reshape3A_193 = vector.broadcast %div3A_192 : f32 to vector<1x1xf32>
      %swap3A_194 = arith.constant 0 : index
      %swap3A_195 = arith.constant 0 : index
      %swap3A_196 = vector.load %arg8[%swap3A_194, %swap3A_195] : memref<1x1xf32, #tpu.memory_space<vmem>>, vector<1x1xf32>
      tpu.vector_store %arg8[%swap3A_194, %swap3A_195], %reshape3A_193 {strides = array<i32>} : memref<1x1xf32, #tpu.memory_space<vmem>>, vector<1x1xf32>,
      %slice3A_197 = vector.extract_strided_slice %get3A_184 {offsets = [1, 0], sizes = [1, 8192], strides = [1, 1]} : vector<2x8192xf32> to vector<1x8192xf32>
      %reduce_sum3A_198 = vector.shape_cast %slice3A_197 : vector<1x8192xf32> to vector<1x1x8192xf32>
      %reduce_sum3A_199 = arith.constant dense<0.000000e+00> : vector<1xf32>
      %reduce_sum3A_200 = vector.multi_reduction <add>, %reduce_sum3A_198, %reduce_sum3A_199 [1, 2] : vector<1x1x8192xf32> to vector<1xf32>
      %reduce_sum3A_201 = vector.shape_cast %reduce_sum3A_200 : vector<1xf32> to vector<1x1x1xf32>
      %reduce_sum3A_202 = vector.extract %reduce_sum3A_201[0, 0, 0] : f32 from vector<1x1x1xf32>
      %div3A_203 = arith.constant 4.608000e+03 : f32
      %div3A_204 = arith.divf %reduce_sum3A_202, %div3A_203 : f32
      %reshape3A_205 = vector.broadcast %div3A_204 : f32 to vector<1x1xf32>
      %swap3A_206 = arith.constant 0 : index
      %swap3A_207 = arith.constant 0 : index
      %swap3A_208 = vector.load %arg9[%swap3A_206, %swap3A_207] : memref<1x1xf32, #tpu.memory_space<vmem>>, vector<1x1xf32>
      tpu.vector_store %arg9[%swap3A_206, %swap3A_207], %reshape3A_205 {strides = array<i32>} : memref<1x1xf32, #tpu.memory_space<vmem>>, vector<1x1xf32>,
    } else {
    }
    return
  }
  func.func @transform_0(%arg0: i32) -> (i32, i32) {
    %c0_i32 = arith.constant 0 : i32
    %c0_i32_0 = arith.constant 0 : i32
    return %arg0, %c0_i32 : i32, i32
  }
  func.func @transform_1(%arg0: i32) -> (i32, i32) {
    %c0_i32 = arith.constant 0 : i32
    %c0_i32_0 = arith.constant 0 : i32
    %c0_i32_1 = arith.constant 0 : i32
    return %c0_i32, %c0_i32_0 : i32, i32
  }
  func.func @transform_2(%arg0: i32) -> (i32, i32) {
    %c0_i32 = arith.constant 0 : i32
    %c0_i32_0 = arith.constant 0 : i32
    %c0_i32_1 = arith.constant 0 : i32
    return %c0_i32, %c0_i32_0 : i32, i32
  }
  func.func @transform_3(%arg0: i32) -> (i32, i32) {
    %c0_i32 = arith.constant 0 : i32
    %c0_i32_0 = arith.constant 0 : i32
    return %arg0, %c0_i32 : i32, i32
  }
  func.func @transform_4(%arg0: i32) -> (i32, i32) {
    %c0_i32 = arith.constant 0 : i32
    %c0_i32_0 = arith.constant 0 : i32
    %c0_i32_1 = arith.constant 0 : i32
    return %c0_i32, %c0_i32_0 : i32, i32
  }
  func.func @transform_5(%arg0: i32) -> (i32, i32) {
    %c0_i32 = arith.constant 0 : i32
    %c0_i32_0 = arith.constant 0 : i32
    %c0_i32_1 = arith.constant 0 : i32
    return %c0_i32, %c0_i32_0 : i32, i32
  }
  func.func @transform_6(%arg0: i32) -> (i32, i32) {
    %c0_i32 = arith.constant 0 : i32
    %c0_i32_0 = arith.constant 0 : i32
    %c0_i32_1 = arith.constant 0 : i32
    return %c0_i32, %c0_i32_0 : i32, i32
  }
  func.func @transform_7(%arg0: i32) -> (i32, i32) {
    %c0_i32 = arith.constant 0 : i32
    %c0_i32_0 = arith.constant 0 : i32
    %c0_i32_1 = arith.constant 0 : i32
    return %c0_i32, %c0_i32_0 : i32, i32
  }
  func.func @transform_8(%arg0: i32) -> (i32, i32) {
    %c0_i32 = arith.constant 0 : i32
    %c0_i32_0 = arith.constant 0 : i32
    %c0_i32_1 = arith.constant 0 : i32
    return %c0_i32, %c0_i32_0 : i32, i32
  }
}

</mosaic_0001>

<sc_bundles>
// kernel: kernel.4.cloned.1.call-start
scs
__scs_entry_jumppad:
0x0: {  	(pc) =	sbr.rel $0x88, $3  }
0x1: {  	(tag) =	ssettag $0x0;
	lr =	simm.s32 $0x1  }
0x2: {  	[smem:$0x3F9E] =	sst lr;
	_ =	strace $0xD0000000  }
0x3: {  	_ = 	snop  }
0x4: {  	_ = 	snop  }
0x5: {  	_ = 	snop  }
0x6: {  	_ = 	snop  }
0x7: {  	_ = 	snop  }
__scs_overlays_trampoline_lowered:
0x8: {  	[smem:$0x3FAD] =	sst s0  }
0x9: {  	[smem:$0x3FAE] =	sst s1  }
0xa: {  	[smem:$0x3FAF] =	sst s2  }
0xb: {  	[smem:$0x3FB0] =	sst s3  }
0xc: {  	[smem:$0x3FB1] =	sst s4  }
0xd: {  	[smem:$0x3FB2] =	sst s5  }
0xe: {  	[smem:$0x3FB3] =	sst s6  }
0xf: {  	[smem:$0x3FB4] =	sst s7  }
0x10: {  	[smem:$0x3FB5] =	sst s8  }
0x11: {  	[smem:$0x3FB6] =	sst s9;
	s0 =	simm.s32 @!p0 $0x0  }
0x12: {  	s1 =	sld [smem:$0x3F9C];
	s0 =	simm.s32 @p0 $0x1  }
0x13: {  	[smem:$0x3FB7] =	sst s0;
	s0 =	simm.s32 @!p1 $0x0  }
0x14: {  	s2 =	sld [smem:$0x3F9B];
	s0 =	simm.s32 @p1 $0x1  }
0x15: {  	[smem:$0x3FB8] =	sst s0;
	s0 =	simm.s32 @!p2 $0x0  }
0x16: {  	s3 =	sld [smem:$0x3FDB];
	s0 =	simm.s32 @p2 $0x1  }
0x17: {  	s4 =	simm.s32 $0x1BF5;
	[smem:$0x3FBA] =	sst s0  }
0x18: {  	s0 =	sld [smem:$0x3F9D];
	_ =	swait.ge [sflag:s4], $0x0  }
0x19: {  	s7 =	sld [smem:$0x3F9E]  }
0x1a: {  	s8 =	sadd.s32 $0xFFFFE003, lr  }
0x1b: {  	s9 =	sadd.s32 $0xFFFFFEF7, lr;
	s5 =	simm.s32 $0xFFFFFFFF;
	p2 =	slt.u32 s8, $0xFFFFF086  }
0x1c: {  	p1 =	slt.u32 s9, $0xF7A;
	s5 =	simm.s32 @!p2 $0x0  }
0x1d: {  	s5 =	simm.s32 @p1 $0x1;
	p0 =	seq.s32 s7, s2  }
0x1e: {  	s7 =	smul.u32 @!p0 $0xF7A, s2;
	p2 =	seq.s32 @!p0 s5, $0x0  }
0x1f: {  	s9 =	smul.u32 $0xF7A, s1;
	s8 =	simm.s32 @!p0 $0x1BF5;
	p2 =	por !p2, p0  }
0x20: {  	[sflag:s8] =	ssyncset.s32 @!p0 $0xFFFFF086;
	s6 =	sadd.s32 @!p0 s3, s7;
	s7 =	simm.s32 @!p0 $0x108  }
0x21: {  	s3 =	sadd.s32 s3, s9;
	s6 =	sadd.s32 @!p0 $0x88, s6;
	s7 =	simm.s32 @p2 $0x1082  }
0x22: {  	[simem:s7], [sflag:s8] =	dma.local @!p0 [hbm:s6], $0xF7A  }
0x23: {  	s9 =	sor.u32 $0xD0000000, s2;
	s6 =	simm.s32 $0x108;
	_ =	swait.ge @!p0 [sflag:s8], $0x0  }
0x24: {  	s3 =	sadd.s32 $0x88, s3;
	s6 =	simm.s32 @!p1 $0x1082;
	[sflag:s4] =	ssyncset.s32 $0xFFFFF086  }
0x25: {  	[simem:s6], [sflag:s4] =	dma.local [hbm:s3], $0xF7A  }
0x26: {  	[smem:$0x3F9E] =	sst s1;
	(tag) =	ssettag s2;
	_ =	strace s9  }
0x27: {  	s1 =	sld [smem:$0x3FAE]  }
0x28: {  	s2 =	sld [smem:$0x3FAF]  }
0x29: {  	s4 =	sld [smem:$0x3FB1]  }
0x2a: {  	p0 =	seq.s32 s5, $0x0;
	s5 =	sld [smem:$0x3FB2]  }
0x2b: {  	s6 =	sld [smem:$0x3FB3]  }
0x2c: {  	s7 =	sld [smem:$0x3FB4]  }
0x2d: {  	s3 =	simm.s32 $0x108;
	s8 =	sld [smem:$0x3FB5]  }
0x2e: {  	s3 =	simm.s32 @!p0 $0x1082;
	s9 =	sld [smem:$0x3FB6]  }
0x2f: {  	lr =	sadd.s32 s0, s3;
	s0 =	sld [smem:$0x3FAD]  }
0x30: {  	s3 =	sld [smem:$0x3FB0]  }
0x31: {  	[smem:$0x3FB9] =	sst s10  }
0x32: {  	s10 =	sld [smem:$0x3FB7];
	_ =	sdelay $0x3  }
0x33: {  	p0 =	seq.s32 s10, $0x1;
	s10 =	sld [smem:$0x3FB9];
	_ =	sdelay $0x3  }
0x34: {  	[smem:$0x3FB9] =	sst s10  }
0x35: {  	s10 =	sld [smem:$0x3FB8];
	_ =	sdelay $0x3  }
0x36: {  	p1 =	seq.s32 s10, $0x1;
	s10 =	sld [smem:$0x3FB9];
	_ =	sdelay $0x3  }
0x37: {  	[smem:$0x3FB9] =	sst s10  }
0x38: {  	s10 =	sld [smem:$0x3FBA]  }
0x39: {  	_ = 	snop;
	(pc) =	sbr.ind lr, $3  }
0x3a: {  	_ = 	snop  }
0x3b: {  	_ = 	snop  }
0x3c: {  	p2 =	seq.s32 s10, $0x1;
	s10 =	sld [smem:$0x3FB9]  }
0x3d: {  	_ =	shalt  }
0x3e: {  	_ =	shalt  }
0x3f: {  	_ =	shalt  }
0x40: {  	_ =	shalt  }
0x41: {  	_ =	shalt  }
0x42: {  	_ =	shalt  }
0x43: {  	_ =	shalt  }
0x44: {  	_ =	shalt  }
0x45: {  	_ =	shalt  }
0x46: {  	_ =	shalt  }
0x47: {  	_ =	shalt  }
0x48: {  	_ =	shalt  }
0x49: {  	_ =	shalt  }
0x4a: {  	_ =	shalt  }
0x4b: {  	_ =	shalt  }
0x4c: {  	_ =	shalt  }
0x4d: {  	_ =	shalt  }
0x4e: {  	_ =	shalt  }
0x4f: {  	_ =	shalt  }
0x50: {  	_ =	shalt  }
0x51: {  	_ =	shalt  }
0x52: {  	_ =	shalt  }
0x53: {  	_ =	shalt  }
0x54: {  	_ =	shalt  }
0x55: {  	_ =	shalt  }
0x56: {  	_ =	shalt  }
0x57: {  	_ =	shalt  }
0x58: {  	_ =	shalt  }
0x59: {  	_ =	shalt  }
0x5a: {  	_ =	shalt  }
0x5b: {  	_ =	shalt  }
0x5c: {  	_ =	shalt  }
0x5d: {  	_ =	shalt  }
0x5e: {  	_ =	shalt  }
0x5f: {  	_ =	shalt  }
0x60: {  	_ =	shalt  }
0x61: {  	_ =	shalt  }
0x62: {  	_ =	shalt  }
0x63: {  	_ =	shalt  }
0x64: {  	_ =	shalt  }
0x65: {  	_ =	shalt  }
0x66: {  	_ =	shalt  }
0x67: {  	_ =	shalt  }
0x68: {  	_ =	shalt  }
0x69: {  	_ =	shalt  }
0x6a: {  	_ =	shalt  }
0x6b: {  	_ =	shalt  }
0x6c: {  	_ =	shalt  }
0x6d: {  	_ =	shalt  }
0x6e: {  	_ =	shalt  }
0x6f: {  	_ =	shalt  }
0x70: {  	_ =	shalt  }
0x71: {  	_ =	shalt  }
0x72: {  	_ =	shalt  }
0x73: {  	_ =	shalt  }
0x74: {  	_ =	shalt  }
0x75: {  	_ =	shalt  }
0x76: {  	_ =	shalt  }
0x77: {  	_ =	shalt  }
0x78: {  	_ =	shalt  }
0x79: {  	_ =	shalt  }
0x7a: {  	_ =	shalt  }
0x7b: {  	_ =	shalt  }
0x7c: {  	_ =	shalt  }
0x7d: {  	_ =	shalt  }
0x7e: {  	_ =	shalt  }
0x7f: {  	_ =	shalt  }
0x80: {  	_ =	shalt  }
0x81: {  	_ =	shalt  }
0x82: {  	_ =	shalt  }
0x83: {  	_ =	shalt  }
0x84: {  	_ =	shalt  }
0x85: {  	_ =	shalt  }
0x86: {  	_ =	shalt  }
0x87: {  	_ =	shalt  }
.Lfunc_end0:
.L_simem_size_0:
called_computation_lowered:
.L_overlay_start_0:
0x88: {  	s2 =	sld [smem:$0x3FD9]  }
0x89: {  	s3 =	sld [smem:$0x3FFE];
	_ =	sdelay $0x1  }
0x8a: {  	s1 =	srdreg.scid  }
0x8b: {  	s0 =	sand.u32 $0x1, s1  }
0x8c: {  	s14 =	sshll.u32 s0, $0xA;
	s2 =	sadd.s32 s3, s2  }
0x8d: {  	s2 =	sadd.s32 s2, s14  }
0x8e: {  	[smem:$0x3FC5] =	sst s2  }
0x8f: {  	_ = 	snop  }
0x90: {  	s2 =	sld [smem:$0x3FD0];
	_ =	sdelay $0x2  }
0x91: {  	s15 =	simm.s32 $0xA;
	s4 =	simm.s32 $0x10  }
0x92: {  	[smem:s4], [sflag:s15] =	dma.local [hbm:s2], $0x1  }
0x93: {  	_ =	swait.eq [sflag:s15], $0x1  }
0x94: {  	[sflag:s15] =	ssyncset.done $0x0  }
0x95: {  	s16 =	sld [smem:$0x10];
	[sflag:s15] =	ssyncadd.s32 $0xFFFFFFFF  }
0x96: {  	s17 =	sld [smem:$0x16];
	(tm) =	ssettm $0x1  }
0x97: {  	s18 =	sld [smem:$0x3FFB];
	_ =	sdelay $0x3  }
0x98: {  	_ =	strace s18  }
0x99: {  	s4 =	sld [smem:$0x3FFC];
	_ =	sdelay $0x3  }
0x9a: {  	_ =	strace s4  }
0x9b: {  	s4 =	sld [smem:$0x3FFD];
	_ =	sdelay $0x3  }
0x9c: {  	_ =	strace s4  }
0x9d: {  	_ =	strace $0x8FFFFFFF  }
0x9e: {  	s19 =	sld [smem:$0x3FDB];
	_ =	sdelay $0x1  }
0x9f: {  	s5 =	simm.s32 $_scs_section_size  }
0xa0: {  	s6 =	simm.s32 $_size__tile_overlayer_lowered;
	s7 =	simm.s32 $_tile_overlayer_lowered  }
0xa1: {  	s22 =	simm.s32 $0x1BFF;
	s21 =	sshll.u32 s7, $0x1;
	s4 =	sadd.s32 s5, s19  }
0xa2: {  	s8 =	simm.s32 $0x0;
	s20 =	sshll.u32 s6, $0x1;
	s6 =	sadd.s32 s21, s4  }
0xa3: {  	[timem:s8], [sflag:s22] =	dma.local [hbm:s6], s20  }
0xa4: {  	_ =	swait.ge [sflag:s22], s20  }
0xa5: {  	s5 =	ssub.s32 $0x0, s20;
	[sflag:s22] =	ssyncset.done $0x0  }
0xa6: {  	[sflag:s22] =	ssyncadd.s32 s5;
	_ =	sdelay $0x1  }
0xa7: {  	s23 =	simm.s32 $0x1B8B  }
0xa8: {  	_ =	swait.ge [sflag:s23], $0x1  }
0xa9: {  	[sflag:s23] =	ssyncset.done $0x0  }
0xaa: {  	s25 =	simm.s32 $0x1B8E;
	s24 =	sld [smem:$0x3FFE];
	[sflag:s23] =	ssyncadd.s32 $0xFFFFFFFF  }
0xab: {  	s26 =	simm.s32 $execute0_lowered;
	[smem:$0x3FD2] =	sst s25  }
0xac: {  	s6 =	sshll.u32 s26, $0x1;
	_ =	strace $0x80000046;
	[dreg:$0x1] =	wrdreg $0xFFFFFFFF  }
0xad: {  	s28 =	simm.s32 $_size_execute0_lowered;
	s4 =	sadd.s32 s4, s6;
	[dreg:$0x0] =	wrdreg $0x0  }
0xae: {  	s6 =	sshll.u32 s28, $0x1;
	[dreg:$0x2] =	wrdreg s4  }
0xaf: {  	[dreg:$0x3] =	wrdreg s6  }
0xb0: {  	[dreg:$0x4] =	wrdreg $0xC0  }
0xb1: {  	_ =	task [dreg:s8], $0x5FFFF  }
0xb2: {  	[dreg:$0x1] =	wrdreg $0xFFFFFFFF  }
0xb3: {  	[dreg:$0x0] =	wrdreg $0x60  }
0xb4: {  	[dreg:$0x2] =	wrdreg s24  }
0xb5: {  	[dreg:$0x3] =	wrdreg s17  }
0xb6: {  	[dreg:$0x4] =	wrdreg s16  }
0xb7: {  	[dreg:$0x5] =	wrdreg $0x9  }
0xb8: {  	_ =	task.clear_ibuf [dreg:s8], $0x6FFFF;
	_ =	strace $0x90000046  }
0xb9: {  	s29 =	simm.s32 $0x9;
	_ =	strace $0x80000048  }
0xba: {  	_ =	swait.ge [sflag:s29], $0x1  }
0xbb: {  	[sflag:s29] =	ssyncadd.s32 $0xFFFFFFFF  }
0xbc: {  	_ =	strace $0x90000048  }
0xbd: {  	_ =	sfence  }
0xbe: {  	s30 =	sld [smem:$0x0];
	_ =	sdelay $0x2  }
0xbf: {  	s31 =	sshll.u32 s1, $0xD;
	s1 =	sshrl.u32 s1, $0x2  }
0xc0: {  	s3 =	sand.u32 $0x4000, s31;
	s1 =	sadd.s32 s1, s30  }
0xc1: {  	s0 =	sor.u32 s3, s0;
	s1 =	sshll.u32 s1, $0x11  }
0xc2: {  	s0 =	sor.u32 s1, s0  }
0xc3: {  	s0 =	sadd.s32 $0x8F2B, s0  }
0xc4: {  	[sflag:s0] =	ssyncadd.remote.s32 $0x1  }
0xc5: {  	_ =	sfence.sel $0xFFFF  }
0xc6: {  	[dreg:$0x0] =	wrdreg $0xFFFFFFFF;
	(pc) =	sbr.abs _section_cstart, $3  }
0xc7: {  	[dreg:$0x1] =	wrdreg $0xFFFFFFFF  }
0xc8: {  	_ =	task.clear_ibuf [dreg:s8], $0x2FFFF;
	_ =	strace $0x9FFFFFFF  }
0xc9: {  	(tm) =	ssettm $0x7FFFFFFF  }
tec
execute0_lowered:
.L_overlay_start_1:
0x0: {  	(tag) =	ssettag $0x1  }
0x1: {  	s3 =	rddreg [dreg:$0x0]  }
0x2: {  	s1 =	srdreg.scid;
	s4 =	rddreg [dreg:$0x1]  }
0x3: {  	s0 =	stileid.u32;
	s6 =	rddreg [dreg:$0x2]  }
0x4: {  	s2 =	simm.s32 $0x0;
	s10 =	simm.s32 $0x1100;
	s11 =	simm.s32 $0x1900  }
0x5: {  	s12 =	simm.s32 $0x2100;
	s13 =	simm.s32 $0x2900;
	s14 =	simm.s32 $0x3100  }
0x6: {  	s15 =	simm.s32 $0x3900;
	s16 =	simm.s32 $0x4100;
	s17 =	simm.s32 $0x4900  }
0x7: {  	s18 =	simm.s32 $0x5100;
	s19 =	simm.s32 $0x5900;
	s20 =	simm.s32 $0x6100  }
0x8: {  	s21 =	simm.s32 $0x6900;
	s22 =	simm.s32 $0x7100;
	s23 =	simm.s32 $0x7900  }
0x9: {  	s24 =	simm.s32 $0x8100;
	s5 =	sand.u32 $0x1, s1;
	s31 =	sshll.u32 s0, $0x1  }
0xa: {  	s25 =	simm.s32 $0x8900;
	s26 =	simm.s32 $0x1;
	s7 =	sor.u32 s5, s31  }
0xb: {  	s1 =	rddreg [dreg:$0x3];
	s5 =	ssub.s32 $0x2, s5;
	s8 =	smul.u32 $0x12, s7  }
0xc: {  	[smem:$0x7FF] =	sst s2;
	s7 =	smul.u32 $0x1200, s7;
	s9 =	sshrl.u32 s5, $0x1  }
0xd: {  	v2 =	vlaneseq.u32;
	s3 =	sadd.s32 $0x800, s3;
	_ =	strace $0x80000047;
	s9 =	ssub.s32 s5, s9  }
0xe: {  	vm0 =	vmmov $0xffff;
	v1 =	vshrl.u32 v2, $0x3;
	s4 =	sadd.s32 s4, s8;
	s5 =	sadd.s32 s6, s7;
	s6 =	smax.u32 s9, $0x1  }
0xf: {  	v0 =	vand.u32 $0x7, v2;
	v2 =	vor.u32 $0x8, v2;
	v1 =	vmul.u32 $0x8, v1;
	s7 =	simm.s32 $0x2;
	s8 =	simm.s32 $0x100;
	s9 =	simm.s32 $0x900  }
.LBB2_1:
0x10: {  	[tilespmem:s2], [sflag:$0x2] =	stream.linear.gather [hbm4b:s4+s2], $0x90, $0x38;
	[tilespmem:$0x9100] =	vst v63  }
0x11: {  	_ =	swait.ge [sflag:s7], $0x90  }
0x12: {  	[sflag:s7] =	ssyncset.done $0x0  }
0x13: {  	[sflag:s7] =	ssyncadd.s32 $0xFFFFFF70  }
0x14: {  	v3 =	vld [tilespmem:$0x0];
	_ =	sdelay $0x4  }
0x15: {  	v4 =	vshll.u32 v3, $0x1  }
0x16: {  	v3 =	vand.u32 $0x7, v3;
	v4 =	vand.u32 $0xFFFFFFF0, v4  }
0x17: {  	v3 =	vor.u32 v3, v4  }
0x18: {  	v4 =	vperm.xlane v3, v0;
	_ =	sdelay $0x1  }
0x19: {  	v3 =	vperm.xlane v3, v2;
	v4 =	vadd.s32 v1, v4;
	_ =	sdelay $0x1  }
0x1a: {  	v3 =	vadd.s32 v1, v3;
	_ =	sdelay $0x2  }
0x1b: {  	[tilespmem:s8], [sflag:$0x1] =	stream.indirect_vreg.gather [hbm4b:s3+s2], $0x80, v4, vm0, $0xb8;
	[tilespmem:$0x9100] =	vst v63  }
0x1c: {  	_ = 	snop  }
0x1d: {  	[tilespmem:s9], [sflag:$0x1] =	stream.indirect_vreg.gather [hbm4b:s3+s2], $0x80, v3, vm0, $0xb8;
	[tilespmem:$0x9100] =	vst v63  }
0x1e: {  	v3 =	vld [tilespmem:$0x10];
	_ =	sdelay $0x4  }
0x1f: {  	v56 =	vshll.u32 v3, $0x1  }
0x20: {  	v3 =	vand.u32 $0x7, v3;
	v4 =	vand.u32 $0xFFFFFFF0, v56  }
0x21: {  	v3 =	vor.u32 v3, v4  }
0x22: {  	v4 =	vperm.xlane v3, v0;
	_ =	sdelay $0x1  }
0x23: {  	v3 =	vperm.xlane v3, v2;
	v4 =	vadd.s32 v1, v4;
	_ =	sdelay $0x1  }
0x24: {  	v3 =	vadd.s32 v1, v3;
	_ =	sdelay $0x2  }
0x25: {  	[tilespmem:s10], [sflag:$0x1] =	stream.indirect_vreg.gather [hbm4b:s3+s2], $0x80, v4, vm0, $0xb8;
	[tilespmem:$0x9100] =	vst v63  }
0x26: {  	_ = 	snop  }
0x27: {  	[tilespmem:s11], [sflag:$0x1] =	stream.indirect_vreg.gather [hbm4b:s3+s2], $0x80, v3, vm0, $0xb8;
	[tilespmem:$0x9100] =	vst v63  }
0x28: {  	v3 =	vld [tilespmem:$0x20];
	_ =	sdelay $0x4  }
0x29: {  	v57 =	vshll.u32 v3, $0x1  }
0x2a: {  	v3 =	vand.u32 $0x7, v3;
	v4 =	vand.u32 $0xFFFFFFF0, v57  }
0x2b: {  	v3 =	vor.u32 v3, v4  }
0x2c: {  	v4 =	vperm.xlane v3, v0;
	_ =	sdelay $0x1  }
0x2d: {  	v3 =	vperm.xlane v3, v2;
	v4 =	vadd.s32 v1, v4;
	_ =	sdelay $0x1  }
0x2e: {  	v3 =	vadd.s32 v1, v3;
	_ =	sdelay $0x2  }
0x2f: {  	[tilespmem:s12], [sflag:$0x1] =	stream.indirect_vreg.gather [hbm4b:s3+s2], $0x80, v4, vm0, $0xb8;
	[tilespmem:$0x9100] =	vst v63  }
0x30: {  	_ = 	snop  }
0x31: {  	[tilespmem:s13], [sflag:$0x1] =	stream.indirect_vreg.gather [hbm4b:s3+s2], $0x80, v3, vm0, $0xb8;
	[tilespmem:$0x9100] =	vst v63  }
0x32: {  	v3 =	vld [tilespmem:$0x30];
	_ =	sdelay $0x4  }
0x33: {  	v58 =	vshll.u32 v3, $0x1  }
0x34: {  	v3 =	vand.u32 $0x7, v3;
	v4 =	vand.u32 $0xFFFFFFF0, v58  }
0x35: {  	v3 =	vor.u32 v3, v4  }
0x36: {  	v4 =	vperm.xlane v3, v0;
	_ =	sdelay $0x1  }
0x37: {  	v3 =	vperm.xlane v3, v2;
	v4 =	vadd.s32 v1, v4;
	_ =	sdelay $0x1  }
0x38: {  	v3 =	vadd.s32 v1, v3;
	_ =	sdelay $0x2  }
0x39: {  	[tilespmem:s14], [sflag:$0x1] =	stream.indirect_vreg.gather [hbm4b:s3+s2], $0x80, v4, vm0, $0xb8;
	[tilespmem:$0x9100] =	vst v63  }
0x3a: {  	_ = 	snop  }
0x3b: {  	[tilespmem:s15], [sflag:$0x1] =	stream.indirect_vreg.gather [hbm4b:s3+s2], $0x80, v3, vm0, $0xb8;
	[tilespmem:$0x9100] =	vst v63  }
0x3c: {  	v3 =	vld [tilespmem:$0x40];
	_ =	sdelay $0x4  }
0x3d: {  	v59 =	vshll.u32 v3, $0x1  }
0x3e: {  	v3 =	vand.u32 $0x7, v3;
	v4 =	vand.u32 $0xFFFFFFF0, v59  }
0x3f: {  	v3 =	vor.u32 v3, v4  }
0x40: {  	v4 =	vperm.xlane v3, v0;
	_ =	sdelay $0x1  }
0x41: {  	v3 =	vperm.xlane v3, v2;
	v4 =	vadd.s32 v1, v4;
	_ =	sdelay $0x1  }
0x42: {  	v3 =	vadd.s32 v1, v3;
	_ =	sdelay $0x2  }
0x43: {  	[tilespmem:s16], [sflag:$0x1] =	stream.indirect_vreg.gather [hbm4b:s3+s2], $0x80, v4, vm0, $0xb8;
	[tilespmem:$0x9100] =	vst v63  }
0x44: {  	_ = 	snop  }
0x45: {  	[tilespmem:s17], [sflag:$0x1] =	stream.indirect_vreg.gather [hbm4b:s3+s2], $0x80, v3, vm0, $0xb8;
	[tilespmem:$0x9100] =	vst v63  }
0x46: {  	v3 =	vld [tilespmem:$0x50];
	_ =	sdelay $0x4  }
0x47: {  	v60 =	vshll.u32 v3, $0x1  }
0x48: {  	v3 =	vand.u32 $0x7, v3;
	v4 =	vand.u32 $0xFFFFFFF0, v60  }
0x49: {  	v3 =	vor.u32 v3, v4  }
0x4a: {  	v4 =	vperm.xlane v3, v0;
	_ =	sdelay $0x1  }
0x4b: {  	v3 =	vperm.xlane v3, v2;
	v4 =	vadd.s32 v1, v4;
	_ =	sdelay $0x1  }
0x4c: {  	v3 =	vadd.s32 v1, v3;
	_ =	sdelay $0x2  }
0x4d: {  	[tilespmem:s18], [sflag:$0x1] =	stream.indirect_vreg.gather [hbm4b:s3+s2], $0x80, v4, vm0, $0xb8;
	[tilespmem:$0x9100] =	vst v63  }
0x4e: {  	_ = 	snop  }
0x4f: {  	[tilespmem:s19], [sflag:$0x1] =	stream.indirect_vreg.gather [hbm4b:s3+s2], $0x80, v3, vm0, $0xb8;
	[tilespmem:$0x9100] =	vst v63  }
0x50: {  	v3 =	vld [tilespmem:$0x60];
	_ =	sdelay $0x4  }
0x51: {  	v61 =	vshll.u32 v3, $0x1  }
0x52: {  	v3 =	vand.u32 $0x7, v3;
	v4 =	vand.u32 $0xFFFFFFF0, v61  }
0x53: {  	v3 =	vor.u32 v3, v4  }
0x54: {  	v4 =	vperm.xlane v3, v0;
	_ =	sdelay $0x1  }
0x55: {  	v3 =	vperm.xlane v3, v2;
	v4 =	vadd.s32 v1, v4;
	_ =	sdelay $0x1  }
0x56: {  	v3 =	vadd.s32 v1, v3;
	_ =	sdelay $0x2  }
0x57: {  	[tilespmem:s20], [sflag:$0x1] =	stream.indirect_vreg.gather [hbm4b:s3+s2], $0x80, v4, vm0, $0xb8;
	[tilespmem:$0x9100] =	vst v63  }
0x58: {  	_ = 	snop  }
0x59: {  	[tilespmem:s21], [sflag:$0x1] =	stream.indirect_vreg.gather [hbm4b:s3+s2], $0x80, v3, vm0, $0xb8;
	[tilespmem:$0x9100] =	vst v63  }
0x5a: {  	v3 =	vld [tilespmem:$0x70];
	_ =	sdelay $0x4  }
0x5b: {  	v62 =	vshll.u32 v3, $0x1  }
0x5c: {  	v3 =	vand.u32 $0x7, v3;
	v4 =	vand.u32 $0xFFFFFFF0, v62  }
0x5d: {  	v3 =	vor.u32 v3, v4  }
0x5e: {  	v4 =	vperm.xlane v3, v0;
	_ =	sdelay $0x1  }
0x5f: {  	v3 =	vperm.xlane v3, v2;
	v4 =	vadd.s32 v1, v4;
	_ =	sdelay $0x1  }
0x60: {  	v3 =	vadd.s32 v1, v3;
	_ =	sdelay $0x2  }
0x61: {  	[tilespmem:s22], [sflag:$0x1] =	stream.indirect_vreg.gather [hbm4b:s3+s2], $0x80, v4, vm0, $0xb8;
	[tilespmem:$0x9100] =	vst v63  }
0x62: {  	_ = 	snop  }
0x63: {  	[tilespmem:s23], [sflag:$0x1] =	stream.indirect_vreg.gather [hbm4b:s3+s2], $0x80, v3, vm0, $0xb8;
	[tilespmem:$0x9100] =	vst v63  }
0x64: {  	v3 =	vld [tilespmem:$0x80];
	_ =	sdelay $0x4  }
0x65: {  	v63 =	vshll.u32 v3, $0x1  }
0x66: {  	v3 =	vand.u32 $0x7, v3;
	v4 =	vand.u32 $0xFFFFFFF0, v63  }
0x67: {  	v3 =	vor.u32 v3, v4  }
0x68: {  	v4 =	vperm.xlane v3, v0;
	_ =	sdelay $0x1  }
0x69: {  	v3 =	vperm.xlane v3, v2;
	v4 =	vadd.s32 v1, v4;
	_ =	sdelay $0x1  }
0x6a: {  	v3 =	vadd.s32 v1, v3;
	_ =	sdelay $0x2  }
0x6b: {  	[tilespmem:s24], [sflag:$0x1] =	stream.indirect_vreg.gather [hbm4b:s3+s2], $0x80, v4, vm0, $0xb8;
	[tilespmem:$0x9100] =	vst v63  }
0x6c: {  	_ = 	snop  }
0x6d: {  	[tilespmem:s25], [sflag:$0x1] =	stream.indirect_vreg.gather [hbm4b:s3+s2], $0x80, v3, vm0, $0xb8;
	[tilespmem:$0x9100] =	vst v63  }
0x6e: {  	_ =	swait.ge [sflag:s26], $0x9000  }
0x6f: {  	p0 =	sne.s32 s6, $0x1;
	[sflag:s26] =	ssyncset.done $0x0  }
.Ltmp0:
0x70: {  	[sflag:s26] =	ssyncadd.s32 $0xFFFF7000;
	(pc) =	sbr.rel @p0 .LBB2_1-.Ltmp0, $4  }
0x71: {  	[hbm4b:s5+s2] =	stream.linear.scatter [tilespmem:s8], [sflag:$0x2], $0x9000, $0x38;
	[tilespmem:$0x9100] =	vst v63  }
0x72: {  	_ =	swait.ge [sflag:s7], $0x9000  }
0x73: {  	[sflag:s7] =	ssyncset.done $0x0  }
0x74: {  	s6 =	sadd.s32 $0xFFFFFFFF, s6;
	[sflag:s7] =	ssyncadd.s32 $0xFFFF7000  }
0x75: {  	_ =	sfence.sel $0x180000  }
0x76: {  	[bflag:$0x0] =	sbarrier.arrive $0xFFFF  }
0x77: {  	p0 =	sne.s32 s0, $0x0;
	_ =	strace $0x90000047  }
0x78: {  	s0 =	sadd.s32 @!p0 $0x100000, s1;
	[bflag:$0x2] =	sbarrier.arrive $0xFFFF  }
0x79: {  	[sflag:s0] =	ssyncadd.tile.s32 @!p0 $0x1;
	_ =	shalt  }
.Lfunc_end2:
_tile_overlayer_lowered:
.L_overlay_start_2:
0x7a: {  	(tag) =	ssettag $0x2  }
0x7b: {  	s0 =	rddreg [dreg:$0x0];
	s2 =	stileid.u32  }
0x7c: {  	s1 =	rddreg [dreg:$0x1];
	p0 =	sne.s32 s2, $0x0  }
0x7d: {  	s3 =	rddreg [dreg:$0x2];
	[bflag:$0x3] =	sbarrier.arrive $0xFFFF;
	s2 =	simm.s32 @!p0 $0x1C02  }
0x7e: {  	[timem:s3], [sflag:s2] =	dma.local @!p0 [hbm:s0], s1  }
0x7f: {  	s0 =	simm.s32 @!p0 $0x2  }
0x80: {  	_ =	swait.ge @!p0 [sflag:s0], s1  }
0x81: {  	s1 =	ssub.s32 @!p0 $0x0, s1;
	[sflag:s0] =	ssyncset.done @!p0 $0x0  }
0x82: {  	[sflag:s0] =	ssyncadd.s32 @!p0 s1  }
0x83: {  	[bflag:$0x3] =	sbarrier.arrive $0xFFFF  }
0x84: {  	_ =	shalt  }

</sc_bundles>
